<compile_context>
chip_gen: v7x
topology: tpu7x:2x2x1
jax: 0.10.2.dev20260603
libtpu: 0.0.44.dev20260713+nightly
codegen_flags: <defaults>
</compile_context>

<pallas_src>
import functools

import jax
import jax.numpy as jnp
import numpy as np
from jax import lax
from jax.experimental import pallas as pl
from jax.experimental.pallas import tpu as pltpu
from jax.experimental.pallas import tpu_sc as plsc


def _threefry2x32(k1, k2, x0, x1):
    ks = (
        np.uint32(k1),
        np.uint32(k2),
        np.uint32(np.uint32(k1) ^ np.uint32(k2) ^ np.uint32(0x1BD11BDA)),
    )
    x = [x0.astype(np.uint32) + ks[0], x1.astype(np.uint32) + ks[1]]

    def rotl(v, r):
        return (v << np.uint32(r)) | (v >> np.uint32(32 - r))

    rotations = ((13, 15, 26, 6), (17, 29, 16, 24))
    for i in range(5):
        for rot in rotations[i % 2]:
            x[0] = x[0] + x[1]
            x[1] = x[0] ^ rotl(x[1], rot)
        x[0] = x[0] + ks[(i + 1) % 3]
        x[1] = x[1] + ks[(i + 2) % 3] + np.uint32(i + 1)
    return x


@functools.lru_cache(maxsize=None)
def _selected_ids(batch_size: int, n_tokens: int) -> tuple[int, ...]:
    zeros2 = np.zeros(2, dtype=np.uint32)
    b1, b2 = _threefry2x32(0, 1, zeros2, np.arange(2, dtype=np.uint32))
    k_hi = (b1[0], b2[0])
    k_lo = (b1[1], b2[1])

    def bits32(k, n):
        c1 = np.zeros(n, dtype=np.uint32)
        c2 = np.arange(n, dtype=np.uint32)
        y1, y2 = _threefry2x32(k[0], k[1], c1, c2)
        return y1 ^ y2

    hi = bits32(k_hi, batch_size)
    lo = bits32(k_lo, batch_size)
    span = np.uint32(n_tokens)
    ones = np.ones((), dtype=np.uint32)
    mult = (ones * 65536) % span
    mult = (mult * mult) % span
    off = ((hi % span) * mult + (lo % span)) % span
    return tuple(int(x) for x in off.astype(np.int32))


def _make_sc_gather(batch_size: int, n_tokens: int, d_model: int, sel):
    mesh = plsc.VectorSubcoreMesh(
        core_axis_name="c", subcore_axis_name="s", num_cores=1, num_subcores=1
    )
    lanes = 16
    flat = [b * n_tokens + sel[b] for b in range(batch_size)]

    @functools.partial(
        pl.kernel,
        mesh=mesh,
        out_type=jax.ShapeDtypeStruct((batch_size, d_model), jnp.float32),
        scratch_types=[
            pltpu.VMEM((lanes,), jnp.int32),
            pltpu.VMEM((lanes, d_model), jnp.float32),
            pltpu.SemaphoreType.DMA,
        ],
    )
    def k(tok_hbm, out_hbm, idx_v, rows_v, sem):
        lane = lax.iota(jnp.int32, lanes)
        idx = jnp.full((lanes,), flat[0], jnp.int32)
        for b in range(1, batch_size):
            idx = jnp.where(lane == b, jnp.int32(flat[b]), idx)
        idx_v[...] = idx
        pltpu.async_copy(tok_hbm.at[idx_v], rows_v, sem).wait()
        pltpu.sync_copy(rows_v.at[pl.ds(0, batch_size)], out_hbm)

    return k


def kernel(tokens):
    batch_size, n_tokens, d_model = tokens.shape
    sel = _selected_ids(batch_size, n_tokens)
    tok2 = tokens.reshape(batch_size * n_tokens, d_model)
    return _make_sc_gather(batch_size, n_tokens, d_model, sel)(tok2)

# --- scband reference (transcript-rebuilt; emitter-appended) ---
"""Pipeline reference for scband-random-token-selection-53815940218889 (READ-ONLY COPY).

The authoritative reference and input builder live on the scoring server;
editing this copy changes nothing except your own understanding.
"""

import jax, jax.numpy as jnp
import numpy as np


def setup_inputs(seed: int = 0) -> dict:
    key = jax.random.key(seed)
    tokens = jax.random.normal(key, (4, 8192, 2048), dtype=jnp.float32)
    return {"tokens": tokens}


def reference(tokens):
    batch_size, n_tokens, _ = tokens.shape
    # torch.randint(0, n_tokens, (batch_size,)) -> deterministic jax equivalent
    sel_key = jax.random.key(1)
    selected_ids = jax.random.randint(sel_key, (batch_size,), 0, n_tokens)
    return tokens[jnp.arange(batch_size), selected_ids]

if __name__ == "__main__":
    import jax
    _d = setup_inputs()
    print(jax.jit(kernel)(*tuple(_d.values())))

</pallas_src>

<mosaic_0001>
#map = affine_map<(d0, d1) -> (0, 0)>
module attributes {stable_mosaic.version = 14 : i64} {
  func.func @k(%arg0: i32, %arg1: i32, %arg2: memref<32768x2048xf32, #tpu.memory_space<hbm>>, %arg3: memref<4x2048xf32, #tpu.memory_space<hbm>>, %arg4: memref<16xi32, #tpu.memory_space<vmem>>, %arg5: memref<16x2048xf32, #tpu.memory_space<vmem>>, %arg6: memref<!tpu.dma_semaphore, #tpu.memory_space<semaphore_mem>>) attributes {dimension_semantics = [#tpu.dimension_semantics<core_parallel>, #tpu.dimension_semantics<subcore_parallel>], iteration_bounds = array<i64: 1, 1>, scalar_prefetch = 0 : i64, scratch_operands = 3 : i64, tpu.core_type = #tpu.core_type<sc_vector_subcore>, window_params = [{transform_indices = #map}, {transform_indices = #map}]} {
    %iota3A = tpu.iota {dimensions = array<i32: 0>} : vector<16xi32>
    %broadcast_in_dim3A = arith.constant 7932 : i32
    %broadcast_in_dim3A_0 = vector.broadcast %broadcast_in_dim3A : i32 to vector<16xi32>
    %eq3A = arith.constant 1 : i32
    %eq3A_1 = vector.broadcast %eq3A : i32 to vector<16xi32>
    %eq3A_2 = arith.cmpi eq, %iota3A, %eq3A_1 : vector<16xi32>
    %jit3A = arith.constant 9135 : i32
    %broadcast_in_dim3A_3 = vector.broadcast %jit3A : i32 to vector<16xi32>
    %select_n3A = arith.select %eq3A_2, %broadcast_in_dim3A_3, %broadcast_in_dim3A_0 : vector<16xi1>, vector<16xi32>
    %eq3A_4 = arith.constant 2 : i32
    %eq3A_5 = vector.broadcast %eq3A_4 : i32 to vector<16xi32>
    %eq3A_6 = arith.cmpi eq, %iota3A, %eq3A_5 : vector<16xi32>
    %jit3A_7 = arith.constant 17120 : i32
    %broadcast_in_dim3A_8 = vector.broadcast %jit3A_7 : i32 to vector<16xi32>
    %select_n3A_9 = arith.select %eq3A_6, %broadcast_in_dim3A_8, %select_n3A : vector<16xi1>, vector<16xi32>
    %eq3A_10 = arith.constant 3 : i32
    %eq3A_11 = vector.broadcast %eq3A_10 : i32 to vector<16xi32>
    %eq3A_12 = arith.cmpi eq, %iota3A, %eq3A_11 : vector<16xi32>
    %jit3A_13 = arith.constant 31593 : i32
    %broadcast_in_dim3A_14 = vector.broadcast %jit3A_13 : i32 to vector<16xi32>
    %select_n3A_15 = arith.select %eq3A_12, %broadcast_in_dim3A_14, %select_n3A_9 : vector<16xi1>, vector<16xi32>
    %swap3A = arith.constant 0 : index
    %swap3A_16 = tpu.vector_load %arg4[%swap3A] {strides = array<i32>} : memref<16xi32, #tpu.memory_space<vmem>>, vector<16xi32>,
    %swap3A_17 = vector.shape_cast %swap3A_16 : vector<16xi32> to vector<16xi32>
    %swap3A_18 = vector.shape_cast %select_n3A_15 : vector<16xi32> to vector<16xi32>
    tpu.vector_store %arg4[%swap3A], %swap3A_18 {strides = array<i32>} : memref<16xi32, #tpu.memory_space<vmem>>, vector<16xi32>,
    %dma_start3A = arith.constant 0 : i32
    %dma_start3A_19 = arith.constant 0 : i32
    %dma_start3A_20 = tpu.memref_slice %arg2[%dma_start3A, %dma_start3A_19] : memref<32768x2048xf32, #tpu.memory_space<hbm>> -> memref<32768x2048xf32, #tpu.memory_space<hbm>>
    tpu.enqueue_indirect_dma source(%dma_start3A_20 : memref<32768x2048xf32, #tpu.memory_space<hbm>>) target(%arg5 : memref<16x2048xf32, #tpu.memory_space<vmem>>) offsets(%arg4 : memref<16xi32, #tpu.memory_space<vmem>>) semaphore(%arg6 : memref<!tpu.dma_semaphore, #tpu.memory_space<semaphore_mem>>)
    %dma_wait3A = arith.constant 0 : i32
    %dma_wait3A_21 = arith.constant 0 : i32
    %dma_wait3A_22 = tpu.memref_slice %arg2[%dma_wait3A, %dma_wait3A_21] : memref<32768x2048xf32, #tpu.memory_space<hbm>> -> memref<32768x2048xf32, #tpu.memory_space<hbm>>
    tpu.wait_indirect_dma semaphore(%arg6 : memref<!tpu.dma_semaphore, #tpu.memory_space<semaphore_mem>>) src(%dma_wait3A_22 : memref<32768x2048xf32, #tpu.memory_space<hbm>>) dst(%arg5 : memref<16x2048xf32, #tpu.memory_space<vmem>>)
    "tpu.region"() ({
      %run_scoped3A = tpu.sem_alloc : memref<!tpu.dma_semaphore, #tpu.memory_space<semaphore_mem>>
      %dma_start3A_23 = arith.constant 0 : i32
      %dma_start3A_24 = arith.constant 0 : i32
      %dma_start3A_25 = tpu.memref_slice %arg5[%dma_start3A_23, %dma_start3A_24] : memref<16x2048xf32, #tpu.memory_space<vmem>> -> memref<4x2048xf32, #tpu.memory_space<vmem>>
      %dma_start3A_26 = arith.constant 0 : i32
      %dma_start3A_27 = arith.constant 0 : i32
      %dma_start3A_28 = tpu.memref_slice %arg5[%dma_start3A_26, %dma_start3A_27] : memref<16x2048xf32, #tpu.memory_space<vmem>> -> memref<4x2048xf32, #tpu.memory_space<vmem>>
      tpu.enqueue_dma source(%dma_start3A_28 : memref<4x2048xf32, #tpu.memory_space<vmem>>) target(%arg3 : memref<4x2048xf32, #tpu.memory_space<hbm>>) target_semaphore(%run_scoped3A : memref<!tpu.dma_semaphore, #tpu.memory_space<semaphore_mem>>)
      %dma_wait3A_29 = arith.constant 0 : i32
      %dma_wait3A_30 = arith.constant 0 : i32
      %dma_wait3A_31 = tpu.memref_slice %arg5[%dma_wait3A_29, %dma_wait3A_30] : memref<16x2048xf32, #tpu.memory_space<vmem>> -> memref<4x2048xf32, #tpu.memory_space<vmem>>
      %dma_wait3A_32 = arith.constant 0 : i32
      %dma_wait3A_33 = arith.constant 0 : i32
      %dma_wait3A_34 = tpu.memref_slice %arg5[%dma_wait3A_32, %dma_wait3A_33] : memref<16x2048xf32, #tpu.memory_space<vmem>> -> memref<4x2048xf32, #tpu.memory_space<vmem>>
      tpu.wait_dma2 semaphore(%run_scoped3A : memref<!tpu.dma_semaphore, #tpu.memory_space<semaphore_mem>>) src(%dma_wait3A_34 : memref<4x2048xf32, #tpu.memory_space<vmem>>) dst(%arg3 : memref<4x2048xf32, #tpu.memory_space<hbm>>)
      tpu.yield
    }) : () -> ()
    return
  }
}

</mosaic_0001>

<sc_bundles>
// kernel: kernel.3.cloned.1.call-start
scs
__scs_entry_jumppad:
0x0: {  	(pc) =	sbr.rel $0x88, $3  }
0x1: {  	(tag) =	ssettag $0x0;
	lr =	simm.s32 $0x1  }
0x2: {  	[smem:$0x3FA0] =	sst lr;
	_ =	strace $0xD0000000  }
0x3: {  	_ = 	snop  }
0x4: {  	_ = 	snop  }
0x5: {  	_ = 	snop  }
0x6: {  	_ = 	snop  }
0x7: {  	_ = 	snop  }
__scs_overlays_trampoline_lowered:
0x8: {  	[smem:$0x3FAF] =	sst s0  }
0x9: {  	[smem:$0x3FB0] =	sst s1  }
0xa: {  	[smem:$0x3FB1] =	sst s2  }
0xb: {  	[smem:$0x3FB2] =	sst s3  }
0xc: {  	[smem:$0x3FB3] =	sst s4  }
0xd: {  	[smem:$0x3FB4] =	sst s5  }
0xe: {  	[smem:$0x3FB5] =	sst s6  }
0xf: {  	[smem:$0x3FB6] =	sst s7  }
0x10: {  	[smem:$0x3FB7] =	sst s8  }
0x11: {  	[smem:$0x3FB8] =	sst s9;
	s0 =	simm.s32 @!p0 $0x0  }
0x12: {  	s1 =	sld [smem:$0x3F9E];
	s0 =	simm.s32 @p0 $0x1  }
0x13: {  	[smem:$0x3FB9] =	sst s0;
	s0 =	simm.s32 @!p1 $0x0  }
0x14: {  	s2 =	sld [smem:$0x3F9D];
	s0 =	simm.s32 @p1 $0x1  }
0x15: {  	[smem:$0x3FBA] =	sst s0;
	s0 =	simm.s32 @!p2 $0x0  }
0x16: {  	s3 =	sld [smem:$0x3FDB];
	s0 =	simm.s32 @p2 $0x1  }
0x17: {  	s4 =	simm.s32 $0x1BF5;
	[smem:$0x3FBC] =	sst s0  }
0x18: {  	s0 =	sld [smem:$0x3F9F];
	_ =	swait.ge [sflag:s4], $0x0  }
0x19: {  	s7 =	sld [smem:$0x3FA0]  }
0x1a: {  	s8 =	sadd.s32 $0xFFFFE003, lr  }
0x1b: {  	s9 =	sadd.s32 $0xFFFFFEF7, lr;
	s5 =	simm.s32 $0xFFFFFFFF;
	p2 =	slt.u32 s8, $0xFFFFF086  }
0x1c: {  	p1 =	slt.u32 s9, $0xF7A;
	s5 =	simm.s32 @!p2 $0x0  }
0x1d: {  	s5 =	simm.s32 @p1 $0x1;
	p0 =	seq.s32 s7, s2  }
0x1e: {  	s7 =	smul.u32 @!p0 $0xF7A, s2;
	p2 =	seq.s32 @!p0 s5, $0x0  }
0x1f: {  	s9 =	smul.u32 $0xF7A, s1;
	s8 =	simm.s32 @!p0 $0x1BF5;
	p2 =	por !p2, p0  }
0x20: {  	[sflag:s8] =	ssyncset.s32 @!p0 $0xFFFFF086;
	s6 =	sadd.s32 @!p0 s3, s7;
	s7 =	simm.s32 @!p0 $0x108  }
0x21: {  	s3 =	sadd.s32 s3, s9;
	s6 =	sadd.s32 @!p0 $0x88, s6;
	s7 =	simm.s32 @p2 $0x1082  }
0x22: {  	[simem:s7], [sflag:s8] =	dma.local @!p0 [hbm:s6], $0xF7A  }
0x23: {  	s9 =	sor.u32 $0xD0000000, s2;
	s6 =	simm.s32 $0x108;
	_ =	swait.ge @!p0 [sflag:s8], $0x0  }
0x24: {  	s3 =	sadd.s32 $0x88, s3;
	s6 =	simm.s32 @!p1 $0x1082;
	[sflag:s4] =	ssyncset.s32 $0xFFFFF086  }
0x25: {  	[simem:s6], [sflag:s4] =	dma.local [hbm:s3], $0xF7A  }
0x26: {  	[smem:$0x3FA0] =	sst s1;
	(tag) =	ssettag s2;
	_ =	strace s9  }
0x27: {  	s1 =	sld [smem:$0x3FB0]  }
0x28: {  	s2 =	sld [smem:$0x3FB1]  }
0x29: {  	s4 =	sld [smem:$0x3FB3]  }
0x2a: {  	p0 =	seq.s32 s5, $0x0;
	s5 =	sld [smem:$0x3FB4]  }
0x2b: {  	s6 =	sld [smem:$0x3FB5]  }
0x2c: {  	s7 =	sld [smem:$0x3FB6]  }
0x2d: {  	s3 =	simm.s32 $0x108;
	s8 =	sld [smem:$0x3FB7]  }
0x2e: {  	s3 =	simm.s32 @!p0 $0x1082;
	s9 =	sld [smem:$0x3FB8]  }
0x2f: {  	lr =	sadd.s32 s0, s3;
	s0 =	sld [smem:$0x3FAF]  }
0x30: {  	s3 =	sld [smem:$0x3FB2]  }
0x31: {  	[smem:$0x3FBB] =	sst s10  }
0x32: {  	s10 =	sld [smem:$0x3FB9];
	_ =	sdelay $0x3  }
0x33: {  	p0 =	seq.s32 s10, $0x1;
	s10 =	sld [smem:$0x3FBB];
	_ =	sdelay $0x3  }
0x34: {  	[smem:$0x3FBB] =	sst s10  }
0x35: {  	s10 =	sld [smem:$0x3FBA];
	_ =	sdelay $0x3  }
0x36: {  	p1 =	seq.s32 s10, $0x1;
	s10 =	sld [smem:$0x3FBB];
	_ =	sdelay $0x3  }
0x37: {  	[smem:$0x3FBB] =	sst s10  }
0x38: {  	s10 =	sld [smem:$0x3FBC]  }
0x39: {  	_ = 	snop;
	(pc) =	sbr.ind lr, $3  }
0x3a: {  	_ = 	snop  }
0x3b: {  	_ = 	snop  }
0x3c: {  	p2 =	seq.s32 s10, $0x1;
	s10 =	sld [smem:$0x3FBB]  }
0x3d: {  	_ =	shalt  }
0x3e: {  	_ =	shalt  }
0x3f: {  	_ =	shalt  }
0x40: {  	_ =	shalt  }
0x41: {  	_ =	shalt  }
0x42: {  	_ =	shalt  }
0x43: {  	_ =	shalt  }
0x44: {  	_ =	shalt  }
0x45: {  	_ =	shalt  }
0x46: {  	_ =	shalt  }
0x47: {  	_ =	shalt  }
0x48: {  	_ =	shalt  }
0x49: {  	_ =	shalt  }
0x4a: {  	_ =	shalt  }
0x4b: {  	_ =	shalt  }
0x4c: {  	_ =	shalt  }
0x4d: {  	_ =	shalt  }
0x4e: {  	_ =	shalt  }
0x4f: {  	_ =	shalt  }
0x50: {  	_ =	shalt  }
0x51: {  	_ =	shalt  }
0x52: {  	_ =	shalt  }
0x53: {  	_ =	shalt  }
0x54: {  	_ =	shalt  }
0x55: {  	_ =	shalt  }
0x56: {  	_ =	shalt  }
0x57: {  	_ =	shalt  }
0x58: {  	_ =	shalt  }
0x59: {  	_ =	shalt  }
0x5a: {  	_ =	shalt  }
0x5b: {  	_ =	shalt  }
0x5c: {  	_ =	shalt  }
0x5d: {  	_ =	shalt  }
0x5e: {  	_ =	shalt  }
0x5f: {  	_ =	shalt  }
0x60: {  	_ =	shalt  }
0x61: {  	_ =	shalt  }
0x62: {  	_ =	shalt  }
0x63: {  	_ =	shalt  }
0x64: {  	_ =	shalt  }
0x65: {  	_ =	shalt  }
0x66: {  	_ =	shalt  }
0x67: {  	_ =	shalt  }
0x68: {  	_ =	shalt  }
0x69: {  	_ =	shalt  }
0x6a: {  	_ =	shalt  }
0x6b: {  	_ =	shalt  }
0x6c: {  	_ =	shalt  }
0x6d: {  	_ =	shalt  }
0x6e: {  	_ =	shalt  }
0x6f: {  	_ =	shalt  }
0x70: {  	_ =	shalt  }
0x71: {  	_ =	shalt  }
0x72: {  	_ =	shalt  }
0x73: {  	_ =	shalt  }
0x74: {  	_ =	shalt  }
0x75: {  	_ =	shalt  }
0x76: {  	_ =	shalt  }
0x77: {  	_ =	shalt  }
0x78: {  	_ =	shalt  }
0x79: {  	_ =	shalt  }
0x7a: {  	_ =	shalt  }
0x7b: {  	_ =	shalt  }
0x7c: {  	_ =	shalt  }
0x7d: {  	_ =	shalt  }
0x7e: {  	_ =	shalt  }
0x7f: {  	_ =	shalt  }
0x80: {  	_ =	shalt  }
0x81: {  	_ =	shalt  }
0x82: {  	_ =	shalt  }
0x83: {  	_ =	shalt  }
0x84: {  	_ =	shalt  }
0x85: {  	_ =	shalt  }
0x86: {  	_ =	shalt  }
0x87: {  	_ =	shalt  }
.Lfunc_end0:
.L_simem_size_0:
called_computation_lowered:
.L_overlay_start_0:
0x88: {  	s0 =	sld [smem:$0x3FD9]  }
0x89: {  	s1 =	sld [smem:$0x3FFE];
	_ =	sdelay $0x3  }
0x8a: {  	s0 =	sadd.s32 s1, s0  }
0x8b: {  	[smem:$0x3FC7] =	sst s0  }
0x8c: {  	_ = 	snop  }
0x8d: {  	s0 =	sld [smem:$0x3FC9]  }
0x8e: {  	s17 =	sld [smem:$0x3FD0];
	(tm) =	ssettm $0x1  }
0x8f: {  	s2 =	sld [smem:$0x3FFB];
	_ =	sdelay $0x3  }
0x90: {  	_ =	strace s2  }
0x91: {  	s2 =	sld [smem:$0x3FFC];
	_ =	sdelay $0x3  }
0x92: {  	_ =	strace s2  }
0x93: {  	s2 =	sld [smem:$0x3FFD];
	_ =	sdelay $0x3  }
0x94: {  	_ =	strace s2  }
0x95: {  	_ =	strace $0x8FFFFFFF  }
0x96: {  	s18 =	sld [smem:$0x3FDB];
	_ =	sdelay $0x1  }
0x97: {  	s3 =	simm.s32 $_scs_section_size  }
0x98: {  	s4 =	simm.s32 $_size__tile_overlayer_lowered;
	s5 =	simm.s32 $_tile_overlayer_lowered  }
0x99: {  	s21 =	simm.s32 $0x1BFF;
	s20 =	sshll.u32 s5, $0x1;
	s2 =	sadd.s32 s3, s18  }
0x9a: {  	s6 =	simm.s32 $0x0;
	s19 =	sshll.u32 s4, $0x1;
	s4 =	sadd.s32 s20, s2  }
0x9b: {  	[timem:s6], [sflag:s21] =	dma.local [hbm:s4], s19  }
0x9c: {  	_ =	swait.ge [sflag:s21], s19  }
0x9d: {  	s3 =	ssub.s32 $0x0, s19;
	[sflag:s21] =	ssyncset.done $0x0  }
0x9e: {  	[sflag:s21] =	ssyncadd.s32 s3;
	_ =	sdelay $0x1  }
0x9f: {  	s22 =	simm.s32 $0x1B8B  }
0xa0: {  	_ =	swait.ge [sflag:s22], $0x1  }
0xa1: {  	[sflag:s22] =	ssyncset.done $0x0  }
0xa2: {  	s23 =	simm.s32 $0x1B8E;
	[sflag:s22] =	ssyncadd.s32 $0xFFFFFFFF  }
0xa3: {  	s24 =	simm.s32 $execute0_lowered;
	[smem:$0x3FD2] =	sst s23  }
0xa4: {  	s3 =	sshll.u32 s24, $0x1;
	_ =	strace $0x80000046;
	[dreg:$0x1] =	wrdreg $0xFFFFFFFF  }
0xa5: {  	s25 =	simm.s32 $_size_execute0_lowered;
	s2 =	sadd.s32 s2, s3;
	[dreg:$0x0] =	wrdreg $0x0  }
0xa6: {  	s3 =	sshll.u32 s25, $0x1;
	[dreg:$0x2] =	wrdreg s2  }
0xa7: {  	[dreg:$0x3] =	wrdreg s3  }
0xa8: {  	[dreg:$0x4] =	wrdreg $0xC0  }
0xa9: {  	_ =	task [dreg:s6], $0x5FFFF  }
0xaa: {  	[dreg:$0x1] =	wrdreg $0xFFFFFFFF  }
0xab: {  	[dreg:$0x0] =	wrdreg $0x60  }
0xac: {  	[dreg:$0x2] =	wrdreg s0  }
0xad: {  	[dreg:$0x3] =	wrdreg s17  }
0xae: {  	[dreg:$0x4] =	wrdreg $0x9  }
0xaf: {  	_ =	task.clear_ibuf [dreg:s6], $0x5FFFF;
	_ =	strace $0x90000046  }
0xb0: {  	s26 =	simm.s32 $0x9;
	_ =	strace $0x80000048  }
0xb1: {  	_ =	swait.ge [sflag:s26], $0x1  }
0xb2: {  	[sflag:s26] =	ssyncadd.s32 $0xFFFFFFFF  }
0xb3: {  	_ =	strace $0x90000048  }
0xb4: {  	_ =	sfence  }
0xb5: {  	s28 =	sld [smem:$0x0];
	_ =	sdelay $0x1  }
0xb6: {  	s29 =	srdreg.scid  }
0xb7: {  	s30 =	sshll.u32 s29, $0xD;
	s31 =	sshrl.u32 s29, $0x2  }
0xb8: {  	s1 =	sand.u32 $0x1, s29;
	s2 =	sand.u32 $0x4000, s30;
	s0 =	sadd.s32 s31, s28  }
0xb9: {  	s1 =	sor.u32 s2, s1;
	s0 =	sshll.u32 s0, $0x11  }
0xba: {  	s0 =	sor.u32 s0, s1  }
0xbb: {  	s0 =	sadd.s32 $0x8F2B, s0  }
0xbc: {  	[sflag:s0] =	ssyncadd.remote.s32 $0x1  }
0xbd: {  	_ =	sfence.sel $0xFFFF  }
0xbe: {  	[dreg:$0x0] =	wrdreg $0xFFFFFFFF;
	(pc) =	sbr.abs _section_cstart, $3  }
0xbf: {  	[dreg:$0x1] =	wrdreg $0xFFFFFFFF  }
0xc0: {  	_ =	task.clear_ibuf [dreg:s6], $0x2FFFF;
	_ =	strace $0x9FFFFFFF  }
0xc1: {  	(tm) =	ssettm $0x7FFFFFFF  }
tec
execute0_lowered:
.L_overlay_start_1:
0x0: {  	(tag) =	ssettag $0x1  }
0x1: {  	s2 =	stileid.u32  }
0x2: {  	p0 =	sne.s32 s2, $0x0  }
.Ltmp0:
0x3: {  	_ = 	snop;
	(pc) =	sbr.rel @p0 .LBB2_2-.Ltmp0, $4  }
0x4: {  	_ = 	snop  }
0x5: {  	s3 =	rddreg [dreg:$0x0]  }
0x6: {  	s1 =	rddreg [dreg:$0x1]  }
0x7: {  	s0 =	rddreg [dreg:$0x2];
	_ =	strace $0x80000047  }
0x8: {  	v0 =	vimm.s32 $0x1EF84;
	vm0 =	vcmask $0x704  }
0x9: {  	vm1 =	vcmask $0xB08;
	v0 =	vsel vm0, $0x23A87, v0  }
0xa: {  	vm2 =	vcmask $0xF0C;
	v1 =	vlaneseq.u32;
	v0 =	vsel vm1, $0x42E00, v0  }
0xb: {  	v2 =	vand.u32 $0x7, v1;
	v3 =	vshrl.u32 v1, $0x3;
	v0 =	vsel vm2, $0x7B681, v0  }
0xc: {  	v3 =	vmul.u32 $0x8, v3;
	v2 =	vperm.xlane v0, v2;
	_ =	sdelay $0x1  }
0xd: {  	v4 =	vimm.s32 $0x1EFC;
	v2 =	vadd.s32 v3, v2  }
0xe: {  	v4 =	vsel vm0, $0x23AF, v4  }
0xf: {  	v4 =	vsel vm1, $0x42E0, v4  }
0x10: {  	v4 =	vsel vm2, $0x7B69, v4  }
0x11: {  	vm15 =	vmmov $0xffff;
	s2 =	simm.s32 $0x0;
	s4 =	simm.s32 $0x80;
	[tilespmem:$0x0] =	vst v4  }
0x12: {  	[tilespmem:s4], [sflag:$0x1] =	stream.indirect_vreg.gather [hbm4b:s3+s2], $0x80, v2, vm15, $0xb8;
	[tilespmem:$0x8080] =	vst v63  }
0x13: {  	s5 =	sadd.s32 $0x100, s3;
	s6 =	simm.s32 $0x880  }
0x14: {  	[tilespmem:s6], [sflag:$0x1] =	stream.indirect_vreg.gather [hbm4b:s5+s2], $0x80, v2, vm15, $0xb8;
	[tilespmem:$0x8080] =	vst v63  }
0x15: {  	s7 =	sadd.s32 $0x200, s3;
	s8 =	simm.s32 $0x1080  }
0x16: {  	[tilespmem:s8], [sflag:$0x1] =	stream.indirect_vreg.gather [hbm4b:s7+s2], $0x80, v2, vm15, $0xb8;
	[tilespmem:$0x8080] =	vst v63  }
0x17: {  	s9 =	sadd.s32 $0x300, s3;
	s10 =	simm.s32 $0x1880  }
0x18: {  	[tilespmem:s10], [sflag:$0x1] =	stream.indirect_vreg.gather [hbm4b:s9+s2], $0x80, v2, vm15, $0xb8;
	[tilespmem:$0x8080] =	vst v63  }
0x19: {  	s11 =	sadd.s32 $0x400, s3;
	s12 =	simm.s32 $0x2080  }
0x1a: {  	v1 =	vor.u32 $0x8, v1;
	[tilespmem:s12], [sflag:$0x1] =	stream.indirect_vreg.gather [hbm4b:s11+s2], $0x80, v2, vm15, $0xb8;
	[tilespmem:$0x8080] =	vst v63  }
0x1b: {  	s13 =	sadd.s32 $0x500, s3;
	s14 =	simm.s32 $0x2880;
	v0 =	vperm.xlane v0, v1  }
0x1c: {  	[tilespmem:s14], [sflag:$0x1] =	stream.indirect_vreg.gather [hbm4b:s13+s2], $0x80, v2, vm15, $0xb8;
	[tilespmem:$0x8080] =	vst v63  }
0x1d: {  	s15 =	sadd.s32 $0x600, s3;
	s16 =	simm.s32 $0x3080;
	v0 =	vadd.s32 v3, v0  }
0x1e: {  	[tilespmem:s16], [sflag:$0x1] =	stream.indirect_vreg.gather [hbm4b:s15+s2], $0x80, v2, vm15, $0xb8;
	[tilespmem:$0x8080] =	vst v63  }
0x1f: {  	s17 =	sadd.s32 $0x700, s3;
	s18 =	simm.s32 $0x3880  }
0x20: {  	[tilespmem:s18], [sflag:$0x1] =	stream.indirect_vreg.gather [hbm4b:s17+s2], $0x80, v2, vm15, $0xb8;
	[tilespmem:$0x8080] =	vst v63  }
0x21: {  	s19 =	simm.s32 $0x4080  }
0x22: {  	[tilespmem:s19], [sflag:$0x1] =	stream.indirect_vreg.gather [hbm4b:s3+s2], $0x80, v0, vm15, $0xb8;
	[tilespmem:$0x8080] =	vst v63  }
0x23: {  	s21 =	simm.s32 $0x4880  }
0x24: {  	[tilespmem:s21], [sflag:$0x1] =	stream.indirect_vreg.gather [hbm4b:s5+s2], $0x80, v0, vm15, $0xb8;
	[tilespmem:$0x8080] =	vst v63  }
0x25: {  	s22 =	simm.s32 $0x5080  }
0x26: {  	[tilespmem:s22], [sflag:$0x1] =	stream.indirect_vreg.gather [hbm4b:s7+s2], $0x80, v0, vm15, $0xb8;
	[tilespmem:$0x8080] =	vst v63  }
0x27: {  	s23 =	simm.s32 $0x5880  }
0x28: {  	[tilespmem:s23], [sflag:$0x1] =	stream.indirect_vreg.gather [hbm4b:s9+s2], $0x80, v0, vm15, $0xb8;
	[tilespmem:$0x8080] =	vst v63  }
0x29: {  	s24 =	simm.s32 $0x6080  }
0x2a: {  	[tilespmem:s24], [sflag:$0x1] =	stream.indirect_vreg.gather [hbm4b:s11+s2], $0x80, v0, vm15, $0xb8;
	[tilespmem:$0x8080] =	vst v63  }
0x2b: {  	s25 =	simm.s32 $0x6880  }
0x2c: {  	[tilespmem:s25], [sflag:$0x1] =	stream.indirect_vreg.gather [hbm4b:s13+s2], $0x80, v0, vm15, $0xb8;
	[tilespmem:$0x8080] =	vst v63  }
0x2d: {  	s26 =	simm.s32 $0x7080  }
0x2e: {  	[tilespmem:s26], [sflag:$0x1] =	stream.indirect_vreg.gather [hbm4b:s15+s2], $0x80, v0, vm15, $0xb8;
	[tilespmem:$0x8080] =	vst v63  }
0x2f: {  	s28 =	simm.s32 $0x7880;
	s29 =	simm.s32 $0x1  }
0x30: {  	[tilespmem:s28], [sflag:$0x1] =	stream.indirect_vreg.gather [hbm4b:s17+s2], $0x80, v0, vm15, $0xb8;
	[tilespmem:$0x8080] =	vst v63  }
0x31: {  	_ =	swait.ge [sflag:s29], $0x8000  }
0x32: {  	[sflag:s29] =	ssyncset.done $0x0  }
0x33: {  	[sflag:s29] =	ssyncadd.s32 $0xFFFF8000  }
0x34: {  	[hbm4b:s1+s2] =	stream.linear.scatter [tilespmem:s4], [sflag:$0x2], $0x200, $0x38;
	[tilespmem:$0x8080] =	vst v63  }
0x35: {  	s30 =	sadd.s32 $0x40, s1;
	s31 =	simm.s32 $0x480  }
0x36: {  	[hbm4b:s30+s2] =	stream.linear.scatter [tilespmem:s31], [sflag:$0x2], $0x200, $0x38;
	[tilespmem:$0x8080] =	vst v63  }
0x37: {  	s4 =	sadd.s32 $0x80, s1  }
0x38: {  	[hbm4b:s4+s2] =	stream.linear.scatter [tilespmem:s6], [sflag:$0x2], $0x200, $0x38;
	[tilespmem:$0x8080] =	vst v63  }
0x39: {  	s5 =	sadd.s32 $0xC0, s1;
	s6 =	simm.s32 $0xC80  }
0x3a: {  	[hbm4b:s5+s2] =	stream.linear.scatter [tilespmem:s6], [sflag:$0x2], $0x200, $0x38;
	[tilespmem:$0x8080] =	vst v63  }
0x3b: {  	s7 =	sadd.s32 $0x100, s1  }
0x3c: {  	[hbm4b:s7+s2] =	stream.linear.scatter [tilespmem:s8], [sflag:$0x2], $0x200, $0x38;
	[tilespmem:$0x8080] =	vst v63  }
0x3d: {  	s9 =	simm.s32 $0x1480;
	s8 =	sadd.s32 $0x140, s1  }
0x3e: {  	[hbm4b:s8+s2] =	stream.linear.scatter [tilespmem:s9], [sflag:$0x2], $0x200, $0x38;
	[tilespmem:$0x8080] =	vst v63  }
0x3f: {  	s11 =	sadd.s32 $0x180, s1  }
0x40: {  	[hbm4b:s11+s2] =	stream.linear.scatter [tilespmem:s10], [sflag:$0x2], $0x200, $0x38;
	[tilespmem:$0x8080] =	vst v63  }
0x41: {  	s13 =	sadd.s32 $0x1C0, s1;
	s15 =	simm.s32 $0x1C80  }
0x42: {  	[hbm4b:s13+s2] =	stream.linear.scatter [tilespmem:s15], [sflag:$0x2], $0x200, $0x38;
	[tilespmem:$0x8080] =	vst v63  }
0x43: {  	s17 =	sadd.s32 $0x200, s1  }
0x44: {  	[hbm4b:s17+s2] =	stream.linear.scatter [tilespmem:s12], [sflag:$0x2], $0x200, $0x38;
	[tilespmem:$0x8080] =	vst v63  }
0x45: {  	s20 =	simm.s32 $0x2480;
	s19 =	sadd.s32 $0x240, s1  }
0x46: {  	[hbm4b:s19+s2] =	stream.linear.scatter [tilespmem:s20], [sflag:$0x2], $0x200, $0x38;
	[tilespmem:$0x8080] =	vst v63  }
0x47: {  	s21 =	sadd.s32 $0x280, s1  }
0x48: {  	[hbm4b:s21+s2] =	stream.linear.scatter [tilespmem:s14], [sflag:$0x2], $0x200, $0x38;
	[tilespmem:$0x8080] =	vst v63  }
0x49: {  	s22 =	sadd.s32 $0x2C0, s1;
	s23 =	simm.s32 $0x2C80  }
0x4a: {  	[hbm4b:s22+s2] =	stream.linear.scatter [tilespmem:s23], [sflag:$0x2], $0x200, $0x38;
	[tilespmem:$0x8080] =	vst v63  }
0x4b: {  	s24 =	sadd.s32 $0x300, s1  }
0x4c: {  	[hbm4b:s24+s2] =	stream.linear.scatter [tilespmem:s16], [sflag:$0x2], $0x200, $0x38;
	[tilespmem:$0x8080] =	vst v63  }
0x4d: {  	s25 =	sadd.s32 $0x340, s1;
	s26 =	simm.s32 $0x3480  }
0x4e: {  	[hbm4b:s25+s2] =	stream.linear.scatter [tilespmem:s26], [sflag:$0x2], $0x200, $0x38;
	[tilespmem:$0x8080] =	vst v63  }
0x4f: {  	s28 =	sadd.s32 $0x380, s1  }
0x50: {  	[hbm4b:s28+s2] =	stream.linear.scatter [tilespmem:s18], [sflag:$0x2], $0x200, $0x38;
	[tilespmem:$0x8080] =	vst v63  }
0x51: {  	s29 =	sadd.s32 $0x3C0, s1;
	s30 =	simm.s32 $0x3C80;
	s31 =	simm.s32 $0x2  }
0x52: {  	[hbm4b:s29+s2] =	stream.linear.scatter [tilespmem:s30], [sflag:$0x2], $0x200, $0x38;
	[tilespmem:$0x8080] =	vst v63  }
0x53: {  	_ =	swait.ge [sflag:s31], $0x2000  }
0x54: {  	[sflag:s31] =	ssyncset.done $0x0  }
0x55: {  	[sflag:s31] =	ssyncadd.s32 $0xFFFFE000  }
.LBB2_2:
0x56: {  	_ =	sfence.sel $0x180000  }
0x57: {  	[bflag:$0x0] =	sbarrier.arrive $0xFFFF  }
0x58: {  	_ =	strace $0x90000047  }
0x59: {  	s0 =	sadd.s32 @!p0 $0x100000, s0;
	[bflag:$0x2] =	sbarrier.arrive $0xFFFF  }
0x5a: {  	[sflag:s0] =	ssyncadd.tile.s32 @!p0 $0x1;
	_ =	shalt  }
.Lfunc_end2:
_tile_overlayer_lowered:
.L_overlay_start_2:
0x5b: {  	(tag) =	ssettag $0x2  }
0x5c: {  	s0 =	rddreg [dreg:$0x0];
	s2 =	stileid.u32  }
0x5d: {  	s1 =	rddreg [dreg:$0x1];
	p0 =	sne.s32 s2, $0x0  }
0x5e: {  	s3 =	rddreg [dreg:$0x2];
	[bflag:$0x3] =	sbarrier.arrive $0xFFFF;
	s2 =	simm.s32 @!p0 $0x1C02  }
0x5f: {  	[timem:s3], [sflag:s2] =	dma.local @!p0 [hbm:s0], s1  }
0x60: {  	s0 =	simm.s32 @!p0 $0x2  }
0x61: {  	_ =	swait.ge @!p0 [sflag:s0], s1  }
0x62: {  	s1 =	ssub.s32 @!p0 $0x0, s1;
	[sflag:s0] =	ssyncset.done @!p0 $0x0  }
0x63: {  	[sflag:s0] =	ssyncadd.s32 @!p0 s1  }
0x64: {  	[bflag:$0x3] =	sbarrier.arrive $0xFFFF  }
0x65: {  	_ =	shalt  }

</sc_bundles>
